<compile_context>
chip_gen: v7x
topology: tpu7x:2x2x1
jax: 0.10.2.dev20260603
libtpu: 0.0.44.dev20260713+nightly
codegen_flags: <defaults>
</compile_context>

<pallas_src>
import functools

import jax
import jax.numpy as jnp
from jax import lax
from jax.experimental import pallas as pl
from jax.experimental.pallas import tpu as pltpu
from jax.experimental.pallas import tpu_sc as plsc




def _proj_body(t_ref, w_ref, b_ref, out_ref):
    out_ref[...] = lax.dot_general(
        t_ref[...], w_ref[...], (((1,), (1,)), ((), ())),
        preferred_element_type=jnp.float32,
    ) + b_ref[...]


def _project_table(table, W, b):
    V, D = table.shape
    BLK = 200
    return pl.pallas_call(
        _proj_body,
        grid=(V // BLK,),
        in_specs=[
            pl.BlockSpec((BLK, D), lambda i: (i, 0)),
            pl.BlockSpec((D, D), lambda i: (0, 0)),
            pl.BlockSpec((1, D), lambda i: (0, 0)),
        ],
        out_specs=pl.BlockSpec((BLK, D), lambda i: (i, 0)),
        out_shape=jax.ShapeDtypeStruct((V, D), jnp.float32),
    )(table, W, b.reshape(1, D))




def _make_gather(ntok, D, CH):
    info = plsc.get_sparse_core_info()
    NC, NS = info.num_cores, info.num_subcores
    NW = NC * NS
    tpw = ntok // NW
    nch = tpw // CH
    mesh = plsc.VectorSubcoreMesh(core_axis_name="c", subcore_axis_name="s")

    @functools.partial(
        pl.kernel,
        out_type=jax.ShapeDtypeStruct((ntok, D), jnp.float32),
        mesh=mesh,
        scratch_types=[
            pltpu.VMEM((tpw,), jnp.int32),
            pltpu.VMEM((CH, D), jnp.float32),
            pltpu.VMEM((CH, D), jnp.float32),
            pltpu.VMEM((CH, D), jnp.float32),
            pltpu.SemaphoreType.DMA,
            pltpu.SemaphoreType.DMA,
            pltpu.SemaphoreType.DMA,
            pltpu.SemaphoreType.DMA,
            pltpu.SemaphoreType.DMA,
            pltpu.SemaphoreType.DMA,
        ],
    )
    def gather(p_hbm, idx_hbm, out_hbm, idx_v,
               buf0, buf1, buf2, gs0, gs1, gs2, os0, os1, os2):
        wid = lax.axis_index("s") * NC + lax.axis_index("c")
        base = wid * tpw
        pltpu.sync_copy(idx_hbm.at[pl.ds(base, tpw)], idx_v)
        bufs = (buf0, buf1, buf2)
        gss = (gs0, gs1, gs2)
        oss = (os0, os1, os2)

        def g_copy(i, s):
            return pltpu.make_async_copy(
                p_hbm.at[idx_v.at[pl.ds(i * CH, CH)]], bufs[s], gss[s])

        def o_copy(i, s):
            return pltpu.make_async_copy(
                bufs[s], out_hbm.at[pl.ds(base + i * CH, CH)], oss[s])

        g_copy(0, 0).start()
        g_copy(1, 1).start()
        ntrip = (nch + 2 + 2) // 3

        def body(k, carry):
            for j in range(3):
                i = 3 * k + j
                sj = j
                sp = (j + 2) % 3

                @pl.when(i < nch)
                def _():
                    g_copy(i, sj).wait()
                @pl.when(jnp.logical_and(i >= 1, i <= nch))
                def _():
                    o_copy(i - 1, sp).wait()
                @pl.when(i + 2 < nch)
                def _():
                    g_copy(i + 2, sp).start()
                @pl.when(i < nch)
                def _():
                    o_copy(i, sj).start()
            return carry

        lax.fori_loop(0, ntrip, body, 0)

    return gather


def kernel(token_ids, table, W, b):
    Bb, Ll = token_ids.shape
    V, D = table.shape
    ntok = Bb * Ll
    P = _project_table(table, W, b)
    ids = token_ids.astype(jnp.int32).T.reshape(ntok)
    flat = _make_gather(ntok, D, 32)(P, ids)
    return flat.reshape(Ll, Bb, D).transpose(1, 0, 2)

# --- scband reference (transcript-rebuilt; emitter-appended) ---
"""Pipeline reference for scband-english-text-conditioner-44667659878720 (READ-ONLY COPY).

The authoritative reference and input builder live on the scoring server;
editing this copy changes nothing except your own understanding.
"""

import jax, jax.numpy as jnp
import numpy as np

VOCAB = 1000
D = 1024
B = 1024
L = 50

def setup_inputs(seed: int = 0) -> dict:
    key = jax.random.key(seed)
    k1, k2, k3, k4 = jax.random.split(key, 4)
    token_ids = jax.random.randint(k1, (B, L), 0, VOCAB, dtype=jnp.int64 if jax.config.jax_enable_x64 else jnp.int32)
    # learned params: embedding table + linear projection (projection='linear')
    table = jax.random.normal(k2, (VOCAB, D), dtype=jnp.float32) * (1.0 / np.sqrt(D))
    W = jax.random.normal(k3, (D, D), dtype=jnp.float32) * (1.0 / np.sqrt(D))  # torch Linear weight [out, in]
    b = jax.random.normal(k4, (D,), dtype=jnp.float32) * 0.01
    return {"token_ids": token_ids, "table": table, "W": W, "b": b}

def reference(token_ids, table, W, b):
    # apply_cond: phoneme embedding lookup (batch already padded to common length L)
    emb = jnp.take(table, token_ids, axis=0)            # [B, L, D]
    # Conditioner.forward: project = nn.Linear(cond_dim, output_dim)
    cond = jnp.einsum('bld,od->blo', emb, W) + b        # [B, L, D]
    return cond

if __name__ == "__main__":
    import jax
    _d = setup_inputs()
    print(jax.jit(kernel)(*tuple(_d.values())))

</pallas_src>

<mosaic_0001>
#map = affine_map<(d0, d1) -> (0, 0)>
#map1 = affine_map<(d0, d1) -> (0)>
module attributes {stable_mosaic.version = 14 : i64} {
  func.func @gather(%arg0: i32, %arg1: i32, %arg2: memref<1000x1024xf32, #tpu.memory_space<hbm>>, %arg3: memref<51200xi32, #tpu.memory_space<hbm>>, %arg4: memref<51200x1024xf32, #tpu.memory_space<hbm>>, %arg5: memref<1600xi32, #tpu.memory_space<vmem>>, %arg6: memref<32x1024xf32, #tpu.memory_space<vmem>>, %arg7: memref<32x1024xf32, #tpu.memory_space<vmem>>, %arg8: memref<32x1024xf32, #tpu.memory_space<vmem>>, %arg9: memref<!tpu.dma_semaphore, #tpu.memory_space<semaphore_mem>>, %arg10: memref<!tpu.dma_semaphore, #tpu.memory_space<semaphore_mem>>, %arg11: memref<!tpu.dma_semaphore, #tpu.memory_space<semaphore_mem>>, %arg12: memref<!tpu.dma_semaphore, #tpu.memory_space<semaphore_mem>>, %arg13: memref<!tpu.dma_semaphore, #tpu.memory_space<semaphore_mem>>, %arg14: memref<!tpu.dma_semaphore, #tpu.memory_space<semaphore_mem>>) attributes {dimension_semantics = [#tpu.dimension_semantics<core_parallel>, #tpu.dimension_semantics<subcore_parallel>], iteration_bounds = array<i64: 2, 16>, scalar_prefetch = 0 : i64, scratch_operands = 10 : i64, tpu.core_type = #tpu.core_type<sc_vector_subcore>, window_params = [{transform_indices = #map}, {transform_indices = #map1}, {transform_indices = #map}]} {
    %mul3A = arith.constant 2 : i32
    %mul3A_0 = arith.muli %arg1, %mul3A : i32
    %add3A = arith.addi %mul3A_0, %arg0 : i32
    %mul3A_1 = arith.constant 1600 : i32
    %mul3A_2 = arith.muli %add3A, %mul3A_1 : i32
    "tpu.region"() ({
      %run_scoped3A = tpu.sem_alloc : memref<!tpu.dma_semaphore, #tpu.memory_space<semaphore_mem>>
      %dma_start3A_17 = tpu.memref_slice %arg3[%mul3A_2] : memref<51200xi32, #tpu.memory_space<hbm>> -> memref<1600xi32, #tpu.memory_space<hbm>>
      %dma_start3A_18 = tpu.memref_slice %arg3[%mul3A_2] : memref<51200xi32, #tpu.memory_space<hbm>> -> memref<1600xi32, #tpu.memory_space<hbm>>
      tpu.enqueue_dma source(%dma_start3A_18 : memref<1600xi32, #tpu.memory_space<hbm>>) target(%arg5 : memref<1600xi32, #tpu.memory_space<vmem>>) target_semaphore(%run_scoped3A : memref<!tpu.dma_semaphore, #tpu.memory_space<semaphore_mem>>)
      %dma_wait3A = tpu.memref_slice %arg3[%mul3A_2] : memref<51200xi32, #tpu.memory_space<hbm>> -> memref<1600xi32, #tpu.memory_space<hbm>>
      %dma_wait3A_19 = tpu.memref_slice %arg3[%mul3A_2] : memref<51200xi32, #tpu.memory_space<hbm>> -> memref<1600xi32, #tpu.memory_space<hbm>>
      tpu.wait_dma2 semaphore(%run_scoped3A : memref<!tpu.dma_semaphore, #tpu.memory_space<semaphore_mem>>) src(%dma_wait3A_19 : memref<1600xi32, #tpu.memory_space<hbm>>) dst(%arg5 : memref<1600xi32, #tpu.memory_space<vmem>>)
      tpu.yield
    }) : () -> ()
    %dma_start3A = arith.constant 0 : i32
    %dma_start3A_3 = tpu.memref_slice %arg5[%dma_start3A] : memref<1600xi32, #tpu.memory_space<vmem>> -> memref<32xi32, #tpu.memory_space<vmem>>
    %dma_start3A_4 = arith.constant 0 : i32
    %dma_start3A_5 = arith.constant 0 : i32
    %dma_start3A_6 = tpu.memref_slice %arg2[%dma_start3A_4, %dma_start3A_5] : memref<1000x1024xf32, #tpu.memory_space<hbm>> -> memref<1000x1024xf32, #tpu.memory_space<hbm>>
    tpu.enqueue_indirect_dma source(%dma_start3A_6 : memref<1000x1024xf32, #tpu.memory_space<hbm>>) target(%arg6 : memref<32x1024xf32, #tpu.memory_space<vmem>>) offsets(%dma_start3A_3 : memref<32xi32, #tpu.memory_space<vmem>>) semaphore(%arg9 : memref<!tpu.dma_semaphore, #tpu.memory_space<semaphore_mem>>)
    %dma_start3A_7 = arith.constant 32 : i32
    %dma_start3A_8 = tpu.memref_slice %arg5[%dma_start3A_7] : memref<1600xi32, #tpu.memory_space<vmem>> -> memref<32xi32, #tpu.memory_space<vmem>>
    %dma_start3A_9 = arith.constant 0 : i32
    %dma_start3A_10 = arith.constant 0 : i32
    %dma_start3A_11 = tpu.memref_slice %arg2[%dma_start3A_9, %dma_start3A_10] : memref<1000x1024xf32, #tpu.memory_space<hbm>> -> memref<1000x1024xf32, #tpu.memory_space<hbm>>
    tpu.enqueue_indirect_dma source(%dma_start3A_11 : memref<1000x1024xf32, #tpu.memory_space<hbm>>) target(%arg7 : memref<32x1024xf32, #tpu.memory_space<vmem>>) offsets(%dma_start3A_8 : memref<32xi32, #tpu.memory_space<vmem>>) semaphore(%arg10 : memref<!tpu.dma_semaphore, #tpu.memory_space<semaphore_mem>>)
    %scan3A = arith.constant 0 : i32
    %scan3A_12 = arith.constant 0 : i32
    %scan3A_13 = arith.constant 18 : i32
    %scan3A_14 = arith.addi %scan3A_12, %scan3A_13 : i32
    %scan3A_15 = arith.constant 1 : i32
    scf.for %scan3A_17 = %scan3A_12 to %scan3A_14 step %scan3A_15  : i32 {
      %mul3A_18 = arith.constant 3 : i32
      %mul3A_19 = arith.muli %mul3A_18, %scan3A_17 : i32
      %add3A_20 = arith.constant 0 : i32
      %add3A_21 = arith.addi %mul3A_19, %add3A_20 : i32
      %lt3A = arith.constant 50 : i32
      %lt3A_22 = arith.cmpi slt, %add3A_21, %lt3A : i32
      %convert_element_type3A = arith.extui %lt3A_22 : i1 to i32
      %cond3A = arith.constant 0 : i32
      %cond3A_23 = arith.cmpi ne, %convert_element_type3A, %cond3A : i32
      scf.if %cond3A_23 {
        %mul3A_99 = arith.constant 32 : i32
        %mul3A_100 = arith.muli %add3A_21, %mul3A_99 : i32
        %dma_wait3A = tpu.memref_slice %arg5[%mul3A_100] : memref<1600xi32, #tpu.memory_space<vmem>> -> memref<32xi32, #tpu.memory_space<vmem>>
        %dma_wait3A_101 = arith.constant 0 : i32
        %dma_wait3A_102 = arith.constant 0 : i32
        %dma_wait3A_103 = tpu.memref_slice %arg2[%dma_wait3A_101, %dma_wait3A_102] : memref<1000x1024xf32, #tpu.memory_space<hbm>> -> memref<1000x1024xf32, #tpu.memory_space<hbm>>
        tpu.wait_indirect_dma semaphore(%arg9 : memref<!tpu.dma_semaphore, #tpu.memory_space<semaphore_mem>>) src(%dma_wait3A_103 : memref<1000x1024xf32, #tpu.memory_space<hbm>>) dst(%arg6 : memref<32x1024xf32, #tpu.memory_space<vmem>>)
      } else {
      }
      %ge3A = arith.constant 1 : i32
      %ge3A_24 = arith.cmpi sge, %add3A_21, %ge3A : i32
      %le3A = arith.constant 50 : i32
      %le3A_25 = arith.cmpi sle, %add3A_21, %le3A : i32
      %and3A = arith.andi %ge3A_24, %le3A_25 : i1
      %convert_element_type3A_26 = arith.extui %and3A : i1 to i32
      %cond3A_27 = arith.constant 0 : i32
      %cond3A_28 = arith.cmpi ne, %convert_element_type3A_26, %cond3A_27 : i32
      scf.if %cond3A_28 {
        %sub3A = arith.constant 1 : i32
        %sub3A_99 = arith.subi %add3A_21, %sub3A : i32
        %mul3A_100 = arith.constant 32 : i32
        %mul3A_101 = arith.muli %sub3A_99, %mul3A_100 : i32
        %add3A_102 = arith.addi %mul3A_2, %mul3A_101 : i32
        %dma_wait3A = arith.constant 0 : i32
        %dma_wait3A_103 = tpu.memref_slice %arg4[%add3A_102, %dma_wait3A] : memref<51200x1024xf32, #tpu.memory_space<hbm>> -> memref<32x1024xf32, #tpu.memory_space<hbm>>
        %dma_wait3A_104 = arith.constant 0 : i32
        %dma_wait3A_105 = tpu.memref_slice %arg4[%add3A_102, %dma_wait3A_104] : memref<51200x1024xf32, #tpu.memory_space<hbm>> -> memref<32x1024xf32, #tpu.memory_space<hbm>>
        tpu.wait_dma2 semaphore(%arg14 : memref<!tpu.dma_semaphore, #tpu.memory_space<semaphore_mem>>) src(%arg8 : memref<32x1024xf32, #tpu.memory_space<vmem>>) dst(%dma_wait3A_105 : memref<32x1024xf32, #tpu.memory_space<hbm>>)
      } else {
      }
      %add3A_29 = arith.constant 2 : i32
      %add3A_30 = arith.addi %add3A_21, %add3A_29 : i32
      %lt3A_31 = arith.constant 50 : i32
      %lt3A_32 = arith.cmpi slt, %add3A_30, %lt3A_31 : i32
      %convert_element_type3A_33 = arith.extui %lt3A_32 : i1 to i32
      %cond3A_34 = arith.constant 0 : i32
      %cond3A_35 = arith.cmpi ne, %convert_element_type3A_33, %cond3A_34 : i32
      scf.if %cond3A_35 {
        %add3A_99 = arith.constant 2 : i32
        %add3A_100 = arith.addi %add3A_21, %add3A_99 : i32
        %mul3A_101 = arith.constant 32 : i32
        %mul3A_102 = arith.muli %add3A_100, %mul3A_101 : i32
        %dma_start3A_103 = tpu.memref_slice %arg5[%mul3A_102] : memref<1600xi32, #tpu.memory_space<vmem>> -> memref<32xi32, #tpu.memory_space<vmem>>
        %dma_start3A_104 = arith.constant 0 : i32
        %dma_start3A_105 = arith.constant 0 : i32
        %dma_start3A_106 = tpu.memref_slice %arg2[%dma_start3A_104, %dma_start3A_105] : memref<1000x1024xf32, #tpu.memory_space<hbm>> -> memref<1000x1024xf32, #tpu.memory_space<hbm>>
        tpu.enqueue_indirect_dma source(%dma_start3A_106 : memref<1000x1024xf32, #tpu.memory_space<hbm>>) target(%arg8 : memref<32x1024xf32, #tpu.memory_space<vmem>>) offsets(%dma_start3A_103 : memref<32xi32, #tpu.memory_space<vmem>>) semaphore(%arg11 : memref<!tpu.dma_semaphore, #tpu.memory_space<semaphore_mem>>)
      } else {
      }
      %lt3A_36 = arith.constant 50 : i32
      %lt3A_37 = arith.cmpi slt, %add3A_21, %lt3A_36 : i32
      %convert_element_type3A_38 = arith.extui %lt3A_37 : i1 to i32
      %cond3A_39 = arith.constant 0 : i32
      %cond3A_40 = arith.cmpi ne, %convert_element_type3A_38, %cond3A_39 : i32
      scf.if %cond3A_40 {
        %mul3A_99 = arith.constant 32 : i32
        %mul3A_100 = arith.muli %add3A_21, %mul3A_99 : i32
        %add3A_101 = arith.addi %mul3A_2, %mul3A_100 : i32
        %dma_start3A_102 = arith.constant 0 : i32
        %dma_start3A_103 = tpu.memref_slice %arg4[%add3A_101, %dma_start3A_102] : memref<51200x1024xf32, #tpu.memory_space<hbm>> -> memref<32x1024xf32, #tpu.memory_space<hbm>>
        %dma_start3A_104 = arith.constant 0 : i32
        %dma_start3A_105 = tpu.memref_slice %arg4[%add3A_101, %dma_start3A_104] : memref<51200x1024xf32, #tpu.memory_space<hbm>> -> memref<32x1024xf32, #tpu.memory_space<hbm>>
        tpu.enqueue_dma source(%arg6 : memref<32x1024xf32, #tpu.memory_space<vmem>>) target(%dma_start3A_105 : memref<32x1024xf32, #tpu.memory_space<hbm>>) target_semaphore(%arg12 : memref<!tpu.dma_semaphore, #tpu.memory_space<semaphore_mem>>)
      } else {
      }
      %mul3A_41 = arith.constant 3 : i32
      %mul3A_42 = arith.muli %mul3A_41, %scan3A_17 : i32
      %add3A_43 = arith.constant 1 : i32
      %add3A_44 = arith.addi %mul3A_42, %add3A_43 : i32
      %lt3A_45 = arith.constant 50 : i32
      %lt3A_46 = arith.cmpi slt, %add3A_44, %lt3A_45 : i32
      %convert_element_type3A_47 = arith.extui %lt3A_46 : i1 to i32
      %cond3A_48 = arith.constant 0 : i32
      %cond3A_49 = arith.cmpi ne, %convert_element_type3A_47, %cond3A_48 : i32
      scf.if %cond3A_49 {
        %mul3A_99 = arith.constant 32 : i32
        %mul3A_100 = arith.muli %add3A_44, %mul3A_99 : i32
        %dma_wait3A = tpu.memref_slice %arg5[%mul3A_100] : memref<1600xi32, #tpu.memory_space<vmem>> -> memref<32xi32, #tpu.memory_space<vmem>>
        %dma_wait3A_101 = arith.constant 0 : i32
        %dma_wait3A_102 = arith.constant 0 : i32
        %dma_wait3A_103 = tpu.memref_slice %arg2[%dma_wait3A_101, %dma_wait3A_102] : memref<1000x1024xf32, #tpu.memory_space<hbm>> -> memref<1000x1024xf32, #tpu.memory_space<hbm>>
        tpu.wait_indirect_dma semaphore(%arg10 : memref<!tpu.dma_semaphore, #tpu.memory_space<semaphore_mem>>) src(%dma_wait3A_103 : memref<1000x1024xf32, #tpu.memory_space<hbm>>) dst(%arg7 : memref<32x1024xf32, #tpu.memory_space<vmem>>)
      } else {
      }
      %ge3A_50 = arith.constant 1 : i32
      %ge3A_51 = arith.cmpi sge, %add3A_44, %ge3A_50 : i32
      %le3A_52 = arith.constant 50 : i32
      %le3A_53 = arith.cmpi sle, %add3A_44, %le3A_52 : i32
      %and3A_54 = arith.andi %ge3A_51, %le3A_53 : i1
      %convert_element_type3A_55 = arith.extui %and3A_54 : i1 to i32
      %cond3A_56 = arith.constant 0 : i32
      %cond3A_57 = arith.cmpi ne, %convert_element_type3A_55, %cond3A_56 : i32
      scf.if %cond3A_57 {
        %sub3A = arith.constant 1 : i32
        %sub3A_99 = arith.subi %add3A_44, %sub3A : i32
        %mul3A_100 = arith.constant 32 : i32
        %mul3A_101 = arith.muli %sub3A_99, %mul3A_100 : i32
        %add3A_102 = arith.addi %mul3A_2, %mul3A_101 : i32
        %dma_wait3A = arith.constant 0 : i32
        %dma_wait3A_103 = tpu.memref_slice %arg4[%add3A_102, %dma_wait3A] : memref<51200x1024xf32, #tpu.memory_space<hbm>> -> memref<32x1024xf32, #tpu.memory_space<hbm>>
        %dma_wait3A_104 = arith.constant 0 : i32
        %dma_wait3A_105 = tpu.memref_slice %arg4[%add3A_102, %dma_wait3A_104] : memref<51200x1024xf32, #tpu.memory_space<hbm>> -> memref<32x1024xf32, #tpu.memory_space<hbm>>
        tpu.wait_dma2 semaphore(%arg12 : memref<!tpu.dma_semaphore, #tpu.memory_space<semaphore_mem>>) src(%arg6 : memref<32x1024xf32, #tpu.memory_space<vmem>>) dst(%dma_wait3A_105 : memref<32x1024xf32, #tpu.memory_space<hbm>>)
      } else {
      }
      %add3A_58 = arith.constant 2 : i32
      %add3A_59 = arith.addi %add3A_44, %add3A_58 : i32
      %lt3A_60 = arith.constant 50 : i32
      %lt3A_61 = arith.cmpi slt, %add3A_59, %lt3A_60 : i32
      %convert_element_type3A_62 = arith.extui %lt3A_61 : i1 to i32
      %cond3A_63 = arith.constant 0 : i32
      %cond3A_64 = arith.cmpi ne, %convert_element_type3A_62, %cond3A_63 : i32
      scf.if %cond3A_64 {
        %add3A_99 = arith.constant 2 : i32
        %add3A_100 = arith.addi %add3A_44, %add3A_99 : i32
        %mul3A_101 = arith.constant 32 : i32
        %mul3A_102 = arith.muli %add3A_100, %mul3A_101 : i32
        %dma_start3A_103 = tpu.memref_slice %arg5[%mul3A_102] : memref<1600xi32, #tpu.memory_space<vmem>> -> memref<32xi32, #tpu.memory_space<vmem>>
        %dma_start3A_104 = arith.constant 0 : i32
        %dma_start3A_105 = arith.constant 0 : i32
        %dma_start3A_106 = tpu.memref_slice %arg2[%dma_start3A_104, %dma_start3A_105] : memref<1000x1024xf32, #tpu.memory_space<hbm>> -> memref<1000x1024xf32, #tpu.memory_space<hbm>>
        tpu.enqueue_indirect_dma source(%dma_start3A_106 : memref<1000x1024xf32, #tpu.memory_space<hbm>>) target(%arg6 : memref<32x1024xf32, #tpu.memory_space<vmem>>) offsets(%dma_start3A_103 : memref<32xi32, #tpu.memory_space<vmem>>) semaphore(%arg9 : memref<!tpu.dma_semaphore, #tpu.memory_space<semaphore_mem>>)
      } else {
      }
      %lt3A_65 = arith.constant 50 : i32
      %lt3A_66 = arith.cmpi slt, %add3A_44, %lt3A_65 : i32
      %convert_element_type3A_67 = arith.extui %lt3A_66 : i1 to i32
      %cond3A_68 = arith.constant 0 : i32
      %cond3A_69 = arith.cmpi ne, %convert_element_type3A_67, %cond3A_68 : i32
      scf.if %cond3A_69 {
        %mul3A_99 = arith.constant 32 : i32
        %mul3A_100 = arith.muli %add3A_44, %mul3A_99 : i32
        %add3A_101 = arith.addi %mul3A_2, %mul3A_100 : i32
        %dma_start3A_102 = arith.constant 0 : i32
        %dma_start3A_103 = tpu.memref_slice %arg4[%add3A_101, %dma_start3A_102] : memref<51200x1024xf32, #tpu.memory_space<hbm>> -> memref<32x1024xf32, #tpu.memory_space<hbm>>
        %dma_start3A_104 = arith.constant 0 : i32
        %dma_start3A_105 = tpu.memref_slice %arg4[%add3A_101, %dma_start3A_104] : memref<51200x1024xf32, #tpu.memory_space<hbm>> -> memref<32x1024xf32, #tpu.memory_space<hbm>>
        tpu.enqueue_dma source(%arg7 : memref<32x1024xf32, #tpu.memory_space<vmem>>) target(%dma_start3A_105 : memref<32x1024xf32, #tpu.memory_space<hbm>>) target_semaphore(%arg13 : memref<!tpu.dma_semaphore, #tpu.memory_space<semaphore_mem>>)
      } else {
      }
      %mul3A_70 = arith.constant 3 : i32
      %mul3A_71 = arith.muli %mul3A_70, %scan3A_17 : i32
      %add3A_72 = arith.constant 2 : i32
      %add3A_73 = arith.addi %mul3A_71, %add3A_72 : i32
      %lt3A_74 = arith.constant 50 : i32
      %lt3A_75 = arith.cmpi slt, %add3A_73, %lt3A_74 : i32
      %convert_element_type3A_76 = arith.extui %lt3A_75 : i1 to i32
      %cond3A_77 = arith.constant 0 : i32
      %cond3A_78 = arith.cmpi ne, %convert_element_type3A_76, %cond3A_77 : i32
      scf.if %cond3A_78 {
        %mul3A_99 = arith.constant 32 : i32
        %mul3A_100 = arith.muli %add3A_73, %mul3A_99 : i32
        %dma_wait3A = tpu.memref_slice %arg5[%mul3A_100] : memref<1600xi32, #tpu.memory_space<vmem>> -> memref<32xi32, #tpu.memory_space<vmem>>
        %dma_wait3A_101 = arith.constant 0 : i32
        %dma_wait3A_102 = arith.constant 0 : i32
        %dma_wait3A_103 = tpu.memref_slice %arg2[%dma_wait3A_101, %dma_wait3A_102] : memref<1000x1024xf32, #tpu.memory_space<hbm>> -> memref<1000x1024xf32, #tpu.memory_space<hbm>>
        tpu.wait_indirect_dma semaphore(%arg11 : memref<!tpu.dma_semaphore, #tpu.memory_space<semaphore_mem>>) src(%dma_wait3A_103 : memref<1000x1024xf32, #tpu.memory_space<hbm>>) dst(%arg8 : memref<32x1024xf32, #tpu.memory_space<vmem>>)
      } else {
      }
      %ge3A_79 = arith.constant 1 : i32
      %ge3A_80 = arith.cmpi sge, %add3A_73, %ge3A_79 : i32
      %le3A_81 = arith.constant 50 : i32
      %le3A_82 = arith.cmpi sle, %add3A_73, %le3A_81 : i32
      %and3A_83 = arith.andi %ge3A_80, %le3A_82 : i1
      %convert_element_type3A_84 = arith.extui %and3A_83 : i1 to i32
      %cond3A_85 = arith.constant 0 : i32
      %cond3A_86 = arith.cmpi ne, %convert_element_type3A_84, %cond3A_85 : i32
      scf.if %cond3A_86 {
        %sub3A = arith.constant 1 : i32
        %sub3A_99 = arith.subi %add3A_73, %sub3A : i32
        %mul3A_100 = arith.constant 32 : i32
        %mul3A_101 = arith.muli %sub3A_99, %mul3A_100 : i32
        %add3A_102 = arith.addi %mul3A_2, %mul3A_101 : i32
        %dma_wait3A = arith.constant 0 : i32
        %dma_wait3A_103 = tpu.memref_slice %arg4[%add3A_102, %dma_wait3A] : memref<51200x1024xf32, #tpu.memory_space<hbm>> -> memref<32x1024xf32, #tpu.memory_space<hbm>>
        %dma_wait3A_104 = arith.constant 0 : i32
        %dma_wait3A_105 = tpu.memref_slice %arg4[%add3A_102, %dma_wait3A_104] : memref<51200x1024xf32, #tpu.memory_space<hbm>> -> memref<32x1024xf32, #tpu.memory_space<hbm>>
        tpu.wait_dma2 semaphore(%arg13 : memref<!tpu.dma_semaphore, #tpu.memory_space<semaphore_mem>>) src(%arg7 : memref<32x1024xf32, #tpu.memory_space<vmem>>) dst(%dma_wait3A_105 : memref<32x1024xf32, #tpu.memory_space<hbm>>)
      } else {
      }
      %add3A_87 = arith.constant 2 : i32
      %add3A_88 = arith.addi %add3A_73, %add3A_87 : i32
      %lt3A_89 = arith.constant 50 : i32
      %lt3A_90 = arith.cmpi slt, %add3A_88, %lt3A_89 : i32
      %convert_element_type3A_91 = arith.extui %lt3A_90 : i1 to i32
      %cond3A_92 = arith.constant 0 : i32
      %cond3A_93 = arith.cmpi ne, %convert_element_type3A_91, %cond3A_92 : i32
      scf.if %cond3A_93 {
        %add3A_99 = arith.constant 2 : i32
        %add3A_100 = arith.addi %add3A_73, %add3A_99 : i32
        %mul3A_101 = arith.constant 32 : i32
        %mul3A_102 = arith.muli %add3A_100, %mul3A_101 : i32
        %dma_start3A_103 = tpu.memref_slice %arg5[%mul3A_102] : memref<1600xi32, #tpu.memory_space<vmem>> -> memref<32xi32, #tpu.memory_space<vmem>>
        %dma_start3A_104 = arith.constant 0 : i32
        %dma_start3A_105 = arith.constant 0 : i32
        %dma_start3A_106 = tpu.memref_slice %arg2[%dma_start3A_104, %dma_start3A_105] : memref<1000x1024xf32, #tpu.memory_space<hbm>> -> memref<1000x1024xf32, #tpu.memory_space<hbm>>
        tpu.enqueue_indirect_dma source(%dma_start3A_106 : memref<1000x1024xf32, #tpu.memory_space<hbm>>) target(%arg7 : memref<32x1024xf32, #tpu.memory_space<vmem>>) offsets(%dma_start3A_103 : memref<32xi32, #tpu.memory_space<vmem>>) semaphore(%arg10 : memref<!tpu.dma_semaphore, #tpu.memory_space<semaphore_mem>>)
      } else {
      }
      %lt3A_94 = arith.constant 50 : i32
      %lt3A_95 = arith.cmpi slt, %add3A_73, %lt3A_94 : i32
      %convert_element_type3A_96 = arith.extui %lt3A_95 : i1 to i32
      %cond3A_97 = arith.constant 0 : i32
      %cond3A_98 = arith.cmpi ne, %convert_element_type3A_96, %cond3A_97 : i32
      scf.if %cond3A_98 {
        %mul3A_99 = arith.constant 32 : i32
        %mul3A_100 = arith.muli %add3A_73, %mul3A_99 : i32
        %add3A_101 = arith.addi %mul3A_2, %mul3A_100 : i32
        %dma_start3A_102 = arith.constant 0 : i32
        %dma_start3A_103 = tpu.memref_slice %arg4[%add3A_101, %dma_start3A_102] : memref<51200x1024xf32, #tpu.memory_space<hbm>> -> memref<32x1024xf32, #tpu.memory_space<hbm>>
        %dma_start3A_104 = arith.constant 0 : i32
        %dma_start3A_105 = tpu.memref_slice %arg4[%add3A_101, %dma_start3A_104] : memref<51200x1024xf32, #tpu.memory_space<hbm>> -> memref<32x1024xf32, #tpu.memory_space<hbm>>
        tpu.enqueue_dma source(%arg8 : memref<32x1024xf32, #tpu.memory_space<vmem>>) target(%dma_start3A_105 : memref<32x1024xf32, #tpu.memory_space<hbm>>) target_semaphore(%arg14 : memref<!tpu.dma_semaphore, #tpu.memory_space<semaphore_mem>>)
      } else {
      }
    }
    %scan3A_16 = arith.constant 18 : i32
    return
  }
}

module attributes {stable_mosaic.version = 14 : i64} {
  func.func @_proj_body(%arg0: i32, %arg1: memref<200x1024xf32, #tpu.memory_space<vmem>>, %arg2: memref<1024x1024xf32, #tpu.memory_space<vmem>>, %arg3: memref<1x1024xf32, #tpu.memory_space<vmem>>, %arg4: memref<200x1024xf32, #tpu.memory_space<vmem>>) attributes {dimension_semantics = [#tpu.dimension_semantics<arbitrary>], iteration_bounds = array<i64: 5>, scalar_prefetch = 0 : i64, scratch_operands = 0 : i64, tpu.core_type = #tpu.core_type<tc>, window_params = [{transform_indices = @transform_0, window_bounds = array<i64: 200, 1024>}, {pipeline_mode = #tpu.pipeline_mode<synchronous>, transform_indices = @transform_1, window_bounds = array<i64: 1024, 1024>}, {pipeline_mode = #tpu.pipeline_mode<synchronous>, transform_indices = @transform_2, window_bounds = array<i64: 1, 1024>}, {transform_indices = @transform_3, window_bounds = array<i64: 200, 1024>}]} {
    %get3A = arith.constant 0 : index
    %get3A_0 = arith.constant 0 : index
    %get3A_1 = vector.load %arg1[%get3A, %get3A_0] : memref<200x1024xf32, #tpu.memory_space<vmem>>, vector<200x1024xf32>
    %get3A_2 = arith.constant 0 : index
    %get3A_3 = arith.constant 0 : index
    %get3A_4 = vector.load %arg2[%get3A_2, %get3A_3] : memref<1024x1024xf32, #tpu.memory_space<vmem>>, vector<1024x1024xf32>
    %dot_general3A = arith.constant dense<0.000000e+00> : vector<200x1024xf32>
    %dot_general3A_5 = tpu.matmul %get3A_1, %get3A_4, %dot_general3A {dimension_numbers = #tpu.dot_dimension_numbers<[1], [1], [0], [0], [0, 0, 1, 0], [], []>, transpose_lhs_hint = false} : vector<200x1024xf32>, vector<1024x1024xf32>, vector<200x1024xf32> -> vector<200x1024xf32>
    %get3A_6 = arith.constant 0 : index
    %get3A_7 = arith.constant 0 : index
    %get3A_8 = vector.load %arg3[%get3A_6, %get3A_7] : memref<1x1024xf32, #tpu.memory_space<vmem>>, vector<1x1024xf32>
    %add3A = vector.broadcast %get3A_8 : vector<1x1024xf32> to vector<200x1024xf32>
    %add3A_9 = arith.addf %dot_general3A_5, %add3A : vector<200x1024xf32>
    %swap3A = arith.constant 0 : index
    %swap3A_10 = arith.constant 0 : index
    %swap3A_11 = vector.load %arg4[%swap3A, %swap3A_10] : memref<200x1024xf32, #tpu.memory_space<vmem>>, vector<200x1024xf32>
    tpu.vector_store %arg4[%swap3A, %swap3A_10], %add3A_9 {strides = array<i32>} : memref<200x1024xf32, #tpu.memory_space<vmem>>, vector<200x1024xf32>,
    return
  }
  func.func @transform_0(%arg0: i32) -> (i32, i32) {
    %c0_i32 = arith.constant 0 : i32
    %c0_i32_0 = arith.constant 0 : i32
    return %arg0, %c0_i32 : i32, i32
  }
  func.func @transform_1(%arg0: i32) -> (i32, i32) {
    %c0_i32 = arith.constant 0 : i32
    %c0_i32_0 = arith.constant 0 : i32
    %c0_i32_1 = arith.constant 0 : i32
    return %c0_i32, %c0_i32_0 : i32, i32
  }
  func.func @transform_2(%arg0: i32) -> (i32, i32) {
    %c0_i32 = arith.constant 0 : i32
    %c0_i32_0 = arith.constant 0 : i32
    %c0_i32_1 = arith.constant 0 : i32
    return %c0_i32, %c0_i32_0 : i32, i32
  }
  func.func @transform_3(%arg0: i32) -> (i32, i32) {
    %c0_i32 = arith.constant 0 : i32
    %c0_i32_0 = arith.constant 0 : i32
    return %arg0, %c0_i32 : i32, i32
  }
}

</mosaic_0001>

<sc_bundles>
// kernel: kernel.4.cloned.1.call-start
scs
__scs_entry_jumppad:
0x0: {  	(pc) =	sbr.rel $0x88, $3  }
0x1: {  	(tag) =	ssettag $0x0;
	lr =	simm.s32 $0x1  }
0x2: {  	[smem:$0x3F9D] =	sst lr;
	_ =	strace $0xD0000000  }
0x3: {  	_ = 	snop  }
0x4: {  	_ = 	snop  }
0x5: {  	_ = 	snop  }
0x6: {  	_ = 	snop  }
0x7: {  	_ = 	snop  }
__scs_overlays_trampoline_lowered:
0x8: {  	[smem:$0x3FAC] =	sst s0  }
0x9: {  	[smem:$0x3FAD] =	sst s1  }
0xa: {  	[smem:$0x3FAE] =	sst s2  }
0xb: {  	[smem:$0x3FAF] =	sst s3  }
0xc: {  	[smem:$0x3FB0] =	sst s4  }
0xd: {  	[smem:$0x3FB1] =	sst s5  }
0xe: {  	[smem:$0x3FB2] =	sst s6  }
0xf: {  	[smem:$0x3FB3] =	sst s7  }
0x10: {  	[smem:$0x3FB4] =	sst s8  }
0x11: {  	[smem:$0x3FB5] =	sst s9;
	s0 =	simm.s32 @!p0 $0x0  }
0x12: {  	s1 =	sld [smem:$0x3F9B];
	s0 =	simm.s32 @p0 $0x1  }
0x13: {  	[smem:$0x3FB6] =	sst s0;
	s0 =	simm.s32 @!p1 $0x0  }
0x14: {  	s2 =	sld [smem:$0x3F9A];
	s0 =	simm.s32 @p1 $0x1  }
0x15: {  	[smem:$0x3FB7] =	sst s0;
	s0 =	simm.s32 @!p2 $0x0  }
0x16: {  	s3 =	sld [smem:$0x3FDB];
	s0 =	simm.s32 @p2 $0x1  }
0x17: {  	s4 =	simm.s32 $0x1BF5;
	[smem:$0x3FB9] =	sst s0  }
0x18: {  	s0 =	sld [smem:$0x3F9C];
	_ =	swait.ge [sflag:s4], $0x0  }
0x19: {  	s7 =	sld [smem:$0x3F9D]  }
0x1a: {  	s8 =	sadd.s32 $0xFFFFE003, lr  }
0x1b: {  	s9 =	sadd.s32 $0xFFFFFEF7, lr;
	s5 =	simm.s32 $0xFFFFFFFF;
	p2 =	slt.u32 s8, $0xFFFFF086  }
0x1c: {  	p1 =	slt.u32 s9, $0xF7A;
	s5 =	simm.s32 @!p2 $0x0  }
0x1d: {  	s5 =	simm.s32 @p1 $0x1;
	p0 =	seq.s32 s7, s2  }
0x1e: {  	s7 =	smul.u32 @!p0 $0xF7A, s2;
	p2 =	seq.s32 @!p0 s5, $0x0  }
0x1f: {  	s9 =	smul.u32 $0xF7A, s1;
	s8 =	simm.s32 @!p0 $0x1BF5;
	p2 =	por !p2, p0  }
0x20: {  	[sflag:s8] =	ssyncset.s32 @!p0 $0xFFFFF086;
	s6 =	sadd.s32 @!p0 s3, s7;
	s7 =	simm.s32 @!p0 $0x108  }
0x21: {  	s3 =	sadd.s32 s3, s9;
	s6 =	sadd.s32 @!p0 $0x88, s6;
	s7 =	simm.s32 @p2 $0x1082  }
0x22: {  	[simem:s7], [sflag:s8] =	dma.local @!p0 [hbm:s6], $0xF7A  }
0x23: {  	s9 =	sor.u32 $0xD0000000, s2;
	s6 =	simm.s32 $0x108;
	_ =	swait.ge @!p0 [sflag:s8], $0x0  }
0x24: {  	s3 =	sadd.s32 $0x88, s3;
	s6 =	simm.s32 @!p1 $0x1082;
	[sflag:s4] =	ssyncset.s32 $0xFFFFF086  }
0x25: {  	[simem:s6], [sflag:s4] =	dma.local [hbm:s3], $0xF7A  }
0x26: {  	[smem:$0x3F9D] =	sst s1;
	(tag) =	ssettag s2;
	_ =	strace s9  }
0x27: {  	s1 =	sld [smem:$0x3FAD]  }
0x28: {  	s2 =	sld [smem:$0x3FAE]  }
0x29: {  	s4 =	sld [smem:$0x3FB0]  }
0x2a: {  	p0 =	seq.s32 s5, $0x0;
	s5 =	sld [smem:$0x3FB1]  }
0x2b: {  	s6 =	sld [smem:$0x3FB2]  }
0x2c: {  	s7 =	sld [smem:$0x3FB3]  }
0x2d: {  	s3 =	simm.s32 $0x108;
	s8 =	sld [smem:$0x3FB4]  }
0x2e: {  	s3 =	simm.s32 @!p0 $0x1082;
	s9 =	sld [smem:$0x3FB5]  }
0x2f: {  	lr =	sadd.s32 s0, s3;
	s0 =	sld [smem:$0x3FAC]  }
0x30: {  	s3 =	sld [smem:$0x3FAF]  }
0x31: {  	[smem:$0x3FB8] =	sst s10  }
0x32: {  	s10 =	sld [smem:$0x3FB6];
	_ =	sdelay $0x3  }
0x33: {  	p0 =	seq.s32 s10, $0x1;
	s10 =	sld [smem:$0x3FB8];
	_ =	sdelay $0x3  }
0x34: {  	[smem:$0x3FB8] =	sst s10  }
0x35: {  	s10 =	sld [smem:$0x3FB7];
	_ =	sdelay $0x3  }
0x36: {  	p1 =	seq.s32 s10, $0x1;
	s10 =	sld [smem:$0x3FB8];
	_ =	sdelay $0x3  }
0x37: {  	[smem:$0x3FB8] =	sst s10  }
0x38: {  	s10 =	sld [smem:$0x3FB9]  }
0x39: {  	_ = 	snop;
	(pc) =	sbr.ind lr, $3  }
0x3a: {  	_ = 	snop  }
0x3b: {  	_ = 	snop  }
0x3c: {  	p2 =	seq.s32 s10, $0x1;
	s10 =	sld [smem:$0x3FB8]  }
0x3d: {  	_ =	shalt  }
0x3e: {  	_ =	shalt  }
0x3f: {  	_ =	shalt  }
0x40: {  	_ =	shalt  }
0x41: {  	_ =	shalt  }
0x42: {  	_ =	shalt  }
0x43: {  	_ =	shalt  }
0x44: {  	_ =	shalt  }
0x45: {  	_ =	shalt  }
0x46: {  	_ =	shalt  }
0x47: {  	_ =	shalt  }
0x48: {  	_ =	shalt  }
0x49: {  	_ =	shalt  }
0x4a: {  	_ =	shalt  }
0x4b: {  	_ =	shalt  }
0x4c: {  	_ =	shalt  }
0x4d: {  	_ =	shalt  }
0x4e: {  	_ =	shalt  }
0x4f: {  	_ =	shalt  }
0x50: {  	_ =	shalt  }
0x51: {  	_ =	shalt  }
0x52: {  	_ =	shalt  }
0x53: {  	_ =	shalt  }
0x54: {  	_ =	shalt  }
0x55: {  	_ =	shalt  }
0x56: {  	_ =	shalt  }
0x57: {  	_ =	shalt  }
0x58: {  	_ =	shalt  }
0x59: {  	_ =	shalt  }
0x5a: {  	_ =	shalt  }
0x5b: {  	_ =	shalt  }
0x5c: {  	_ =	shalt  }
0x5d: {  	_ =	shalt  }
0x5e: {  	_ =	shalt  }
0x5f: {  	_ =	shalt  }
0x60: {  	_ =	shalt  }
0x61: {  	_ =	shalt  }
0x62: {  	_ =	shalt  }
0x63: {  	_ =	shalt  }
0x64: {  	_ =	shalt  }
0x65: {  	_ =	shalt  }
0x66: {  	_ =	shalt  }
0x67: {  	_ =	shalt  }
0x68: {  	_ =	shalt  }
0x69: {  	_ =	shalt  }
0x6a: {  	_ =	shalt  }
0x6b: {  	_ =	shalt  }
0x6c: {  	_ =	shalt  }
0x6d: {  	_ =	shalt  }
0x6e: {  	_ =	shalt  }
0x6f: {  	_ =	shalt  }
0x70: {  	_ =	shalt  }
0x71: {  	_ =	shalt  }
0x72: {  	_ =	shalt  }
0x73: {  	_ =	shalt  }
0x74: {  	_ =	shalt  }
0x75: {  	_ =	shalt  }
0x76: {  	_ =	shalt  }
0x77: {  	_ =	shalt  }
0x78: {  	_ =	shalt  }
0x79: {  	_ =	shalt  }
0x7a: {  	_ =	shalt  }
0x7b: {  	_ =	shalt  }
0x7c: {  	_ =	shalt  }
0x7d: {  	_ =	shalt  }
0x7e: {  	_ =	shalt  }
0x7f: {  	_ =	shalt  }
0x80: {  	_ =	shalt  }
0x81: {  	_ =	shalt  }
0x82: {  	_ =	shalt  }
0x83: {  	_ =	shalt  }
0x84: {  	_ =	shalt  }
0x85: {  	_ =	shalt  }
0x86: {  	_ =	shalt  }
0x87: {  	_ =	shalt  }
.Lfunc_end0:
.L_simem_size_0:
called_computation_lowered:
.L_overlay_start_0:
0x88: {  	s2 =	sld [smem:$0x3FD9]  }
0x89: {  	s3 =	sld [smem:$0x3FFE];
	_ =	sdelay $0x1  }
0x8a: {  	s1 =	srdreg.scid  }
0x8b: {  	s0 =	sand.u32 $0x1, s1  }
0x8c: {  	s17 =	sshll.u32 s0, $0xA;
	s2 =	sadd.s32 s3, s2  }
0x8d: {  	s2 =	sadd.s32 s2, s17  }
0x8e: {  	[smem:$0x3FC4] =	sst s2  }
0x8f: {  	_ = 	snop  }
0x90: {  	s2 =	sld [smem:$0x3FD0];
	(tm) =	ssettm $0x1  }
0x91: {  	s18 =	sld [smem:$0x3FFB];
	_ =	sdelay $0x3  }
0x92: {  	_ =	strace s18  }
0x93: {  	s3 =	sld [smem:$0x3FFC];
	_ =	sdelay $0x3  }
0x94: {  	_ =	strace s3  }
0x95: {  	s3 =	sld [smem:$0x3FFD];
	_ =	sdelay $0x3  }
0x96: {  	_ =	strace s3  }
0x97: {  	_ =	strace $0x8FFFFFFF  }
0x98: {  	s19 =	sld [smem:$0x3FDB];
	_ =	sdelay $0x1  }
0x99: {  	s4 =	simm.s32 $_scs_section_size  }
0x9a: {  	s5 =	simm.s32 $_size__tile_overlayer_lowered;
	s6 =	simm.s32 $_tile_overlayer_lowered  }
0x9b: {  	s22 =	simm.s32 $0x1BFF;
	s21 =	sshll.u32 s6, $0x1;
	s3 =	sadd.s32 s4, s19  }
0x9c: {  	s7 =	simm.s32 $0x0;
	s20 =	sshll.u32 s5, $0x1;
	s5 =	sadd.s32 s21, s3  }
0x9d: {  	[timem:s7], [sflag:s22] =	dma.local [hbm:s5], s20  }
0x9e: {  	_ =	swait.ge [sflag:s22], s20  }
0x9f: {  	s4 =	ssub.s32 $0x0, s20;
	[sflag:s22] =	ssyncset.done $0x0  }
0xa0: {  	[sflag:s22] =	ssyncadd.s32 s4;
	_ =	sdelay $0x1  }
0xa1: {  	s23 =	simm.s32 $0x1B8B  }
0xa2: {  	_ =	swait.ge [sflag:s23], $0x1  }
0xa3: {  	[sflag:s23] =	ssyncset.done $0x0  }
0xa4: {  	s25 =	simm.s32 $0x1B8E;
	s24 =	sld [smem:$0x3FFE];
	[sflag:s23] =	ssyncadd.s32 $0xFFFFFFFF  }
0xa5: {  	s26 =	simm.s32 $execute0_lowered;
	[smem:$0x3FD2] =	sst s25  }
0xa6: {  	s5 =	sshll.u32 s26, $0x1;
	_ =	strace $0x80000046;
	[dreg:$0x1] =	wrdreg $0xFFFFFFFF  }
0xa7: {  	s28 =	simm.s32 $_size_execute0_lowered;
	s3 =	sadd.s32 s3, s5;
	[dreg:$0x0] =	wrdreg $0x0  }
0xa8: {  	s5 =	sshll.u32 s28, $0x1;
	[dreg:$0x2] =	wrdreg s3  }
0xa9: {  	[dreg:$0x3] =	wrdreg s5  }
0xaa: {  	[dreg:$0x4] =	wrdreg $0xC0  }
0xab: {  	_ =	task [dreg:s7], $0x5FFFF  }
0xac: {  	[dreg:$0x1] =	wrdreg $0xFFFFFFFF  }
0xad: {  	[dreg:$0x0] =	wrdreg $0x60  }
0xae: {  	[dreg:$0x2] =	wrdreg s24  }
0xaf: {  	[dreg:$0x3] =	wrdreg s2  }
0xb0: {  	[dreg:$0x4] =	wrdreg $0x9  }
0xb1: {  	_ =	task.clear_ibuf [dreg:s7], $0x5FFFF;
	_ =	strace $0x90000046  }
0xb2: {  	s29 =	simm.s32 $0x9;
	_ =	strace $0x80000048  }
0xb3: {  	_ =	swait.ge [sflag:s29], $0x1  }
0xb4: {  	[sflag:s29] =	ssyncadd.s32 $0xFFFFFFFF  }
0xb5: {  	_ =	strace $0x90000048  }
0xb6: {  	_ =	sfence  }
0xb7: {  	s30 =	sld [smem:$0x0];
	_ =	sdelay $0x2  }
0xb8: {  	s31 =	sshll.u32 s1, $0xD;
	s1 =	sshrl.u32 s1, $0x2  }
0xb9: {  	s3 =	sand.u32 $0x4000, s31;
	s1 =	sadd.s32 s1, s30  }
0xba: {  	s0 =	sor.u32 s3, s0;
	s1 =	sshll.u32 s1, $0x11  }
0xbb: {  	s0 =	sor.u32 s1, s0  }
0xbc: {  	s0 =	sadd.s32 $0x8F2B, s0  }
0xbd: {  	[sflag:s0] =	ssyncadd.remote.s32 $0x1  }
0xbe: {  	_ =	sfence.sel $0xFFFF  }
0xbf: {  	[dreg:$0x0] =	wrdreg $0xFFFFFFFF;
	(pc) =	sbr.abs _section_cstart, $3  }
0xc0: {  	[dreg:$0x1] =	wrdreg $0xFFFFFFFF  }
0xc1: {  	_ =	task.clear_ibuf [dreg:s7], $0x2FFFF;
	_ =	strace $0x9FFFFFFF  }
0xc2: {  	(tm) =	ssettm $0x7FFFFFFF  }
0xc3: {  	_ =	shalt  }
tec
execute0_lowered:
.L_overlay_start_1:
0x0: {  	(tag) =	ssettag $0x1  }
0x1: {  	s0 =	rddreg [dreg:$0x0];
	s1 =	srdreg.scid  }
0x2: {  	s11 =	stileid.u32;
	s4 =	rddreg [dreg:$0x1]  }
0x3: {  	s2 =	simm.s32 $0x0;
	s13 =	simm.s32 $0x680;
	s30 =	simm.s32 $0x8680  }
0x4: {  	s14 =	simm.s32 $0xBE80;
	s15 =	simm.s32 $0xC680;
	s16 =	simm.s32 $0xCE80  }
0x5: {  	s17 =	simm.s32 $0xD680;
	s18 =	simm.s32 $0xDE80;
	s19 =	simm.s32 $0xE680  }
0x6: {  	s20 =	simm.s32 $0xEE80;
	s21 =	simm.s32 $0xF680;
	s22 =	simm.s32 $0xFE80  }
0x7: {  	s28 =	simm.s32 $0x5;
	s29 =	simm.s32 $0x0;
	s8 =	smul.u32 $0x320000, s11  }
0x8: {  	s1 =	sand.u32 $0x1, s1;
	s3 =	sshll.u32 s11, $0x1;
	s26 =	smul.u32 $0x64000, s11  }
0x9: {  	[smem:$0x7FF] =	sst s2;
	s3 =	sor.u32 s1, s3;
	s9 =	smul.u32 $0x190000, s1  }
0xa: {  	_ =	strace $0x80000047;
	s6 =	ssub.s32 $0x2, s1;
	s1 =	smul.u32 $0x32000, s1  }
0xb: {  	s5 =	smul.u32 $0x640, s3;
	s3 =	sadd.s32 $0x2600, s0;
	s7 =	sshrl.u32 s6, $0x1  }
0xc: {  	s31 =	sadd.s32 s26, s4;
	s26 =	simm.s32 $0x3;
	s10 =	ssub.s32 s6, s7  }
0xd: {  	s6 =	sadd.s32 $0x2800, s0;
	s7 =	sadd.s32 $0x2900, s0;
	s23 =	sadd.s32 s9, s8  }
0xe: {  	s11 =	sadd.s32 s1, s31;
	s5 =	sshrl.u32 s5, $0x3;
	s24 =	smax.u32 s10, $0x1  }
.Ltmp0:
0xf: {  	s25 =	sor.u32 $0x8000, s23;
	s5 =	sadd.s32 s5, s0;
	(pc) =	sbr.rel .LBB2_1-.Ltmp0, $4  }
0x10: {  	[dreg:$0x4] =	wrdreg s24;
	s8 =	sshrl.u32 s25, $0x3;
	s5 =	sadd.s32 $0xC00, s5  }
0x11: {  	v2 =	vlaneseq.u32;
	[dreg:$0x3] =	wrdreg s5;
	s5 =	sadd.s32 $0x2700, s0;
	s0 =	sadd.s32 $0x10000, s23  }
0x12: {  	vm0 =	vmmov $0xffff;
	v1 =	vshrl.u32 v2, $0x3;
	s24 =	simm.s32 $0x2;
	s25 =	simm.s32 $0x4;
	s0 =	sshrl.u32 s0, $0x3  }
0x13: {  	v0 =	vand.u32 $0x7, v2;
	v2 =	vor.u32 $0x8, v2;
	v1 =	vmul.u32 $0x8, v1;
	s9 =	sadd.s32 s8, s4;
	s23 =	simm.s32 $0x1;
	s10 =	sadd.s32 s0, s4  }
.LBB2_7:
0x14: {  	s29 =	sadd.s32 $0x1, s29;
	s0 =	rddreg [dreg:$0x4]  }
0x15: {  	p0 =	sne.s32 s29, s0  }
.Ltmp1:
0x16: {  	_ = 	snop;
	(pc) =	sbr.rel @!p0 .LBB2_8-.Ltmp1, $1  }
0x17: {  	_ =	sdelay $0x3  }
.LBB2_1:
0x18: {  	s0 =	rddreg [dreg:$0x3];
	s8 =	simm.s32 $0x7  }
0x19: {  	[tilespmem:s2], [sflag:$0x7] =	stream.linear.gather [hbm4b:s0+s2], $0x640, $0x38;
	[tilespmem:$0x18680] =	vst v63  }
0x1a: {  	_ =	swait.ge [sflag:s8], $0x640  }
0x1b: {  	[sflag:s8] =	ssyncset.done $0x0  }
0x1c: {  	[sflag:s8] =	ssyncadd.s32 $0xFFFFF9C0  }
0x1d: {  	v3 =	vld [tilespmem:$0x0];
	_ =	sdelay $0x4  }
0x1e: {  	v4 =	vshll.u32 v3, $0x3  }
0x1f: {  	v3 =	vand.u32 $0x7, v3;
	v4 =	vand.u32 $0xFFFFFFC0, v4  }
0x20: {  	v3 =	vor.u32 v3, v4  }
0x21: {  	v4 =	vperm.xlane v3, v0;
	_ =	sdelay $0x1  }
0x22: {  	v4 =	vadd.s32 v1, v4;
	_ =	sdelay $0x4  }
0x23: {  	[tilespmem:s13], [sflag:$0x1] =	stream.indirect_vreg.gather [hbm4b:s3+s2], $0x80, v4, vm0, $0xb8;
	[tilespmem:$0x18680] =	vst v63  }
0x24: {  	s12 =	simm.s32 $0xE80;
	v3 =	vperm.xlane v3, v2  }
0x25: {  	[tilespmem:s12], [sflag:$0x1] =	stream.indirect_vreg.gather [hbm4b:s5+s2], $0x80, v4, vm0, $0xb8;
	[tilespmem:$0x18680] =	vst v63  }
0x26: {  	s1 =	simm.s32 $0x1680;
	v3 =	vadd.s32 v1, v3  }
0x27: {  	[tilespmem:s1], [sflag:$0x1] =	stream.indirect_vreg.gather [hbm4b:s6+s2], $0x80, v4, vm0, $0xb8;
	[tilespmem:$0x18680] =	vst v63  }
0x28: {  	s4 =	simm.s32 $0x1E80  }
0x29: {  	[tilespmem:s4], [sflag:$0x1] =	stream.indirect_vreg.gather [hbm4b:s7+s2], $0x80, v4, vm0, $0xb8;
	[tilespmem:$0x18680] =	vst v63  }
0x2a: {  	s8 =	simm.s32 $0x2680  }
0x2b: {  	[tilespmem:s8], [sflag:$0x1] =	stream.indirect_vreg.gather [hbm4b:s3+s2], $0x80, v3, vm0, $0xb8;
	[tilespmem:$0x18680] =	vst v63  }
0x2c: {  	s12 =	simm.s32 $0x2E80  }
0x2d: {  	[tilespmem:s12], [sflag:$0x1] =	stream.indirect_vreg.gather [hbm4b:s5+s2], $0x80, v3, vm0, $0xb8;
	[tilespmem:$0x18680] =	vst v63  }
0x2e: {  	s1 =	simm.s32 $0x3680  }
0x2f: {  	[tilespmem:s1], [sflag:$0x1] =	stream.indirect_vreg.gather [hbm4b:s6+s2], $0x80, v3, vm0, $0xb8;
	[tilespmem:$0x18680] =	vst v63  }
0x30: {  	s4 =	simm.s32 $0x3E80  }
0x31: {  	[tilespmem:s4], [sflag:$0x1] =	stream.indirect_vreg.gather [hbm4b:s7+s2], $0x80, v3, vm0, $0xb8;
	[tilespmem:$0x18680] =	vst v63  }
0x32: {  	v3 =	vld [tilespmem:$0x10];
	_ =	sdelay $0x4  }
0x33: {  	v61 =	vshll.u32 v3, $0x3  }
0x34: {  	v3 =	vand.u32 $0x7, v3;
	v4 =	vand.u32 $0xFFFFFFC0, v61  }
0x35: {  	v3 =	vor.u32 v3, v4  }
0x36: {  	v4 =	vperm.xlane v3, v0;
	_ =	sdelay $0x1  }
0x37: {  	v4 =	vadd.s32 v1, v4;
	_ =	sdelay $0x3  }
0x38: {  	s8 =	simm.s32 $0x4680  }
0x39: {  	[tilespmem:s8], [sflag:$0x1] =	stream.indirect_vreg.gather [hbm4b:s3+s2], $0x80, v4, vm0, $0xb8;
	[tilespmem:$0x18680] =	vst v63  }
0x3a: {  	s12 =	simm.s32 $0x4E80;
	v3 =	vperm.xlane v3, v2  }
0x3b: {  	[tilespmem:s12], [sflag:$0x1] =	stream.indirect_vreg.gather [hbm4b:s5+s2], $0x80, v4, vm0, $0xb8;
	[tilespmem:$0x18680] =	vst v63  }
0x3c: {  	s1 =	simm.s32 $0x5680;
	v3 =	vadd.s32 v1, v3  }
0x3d: {  	[tilespmem:s1], [sflag:$0x1] =	stream.indirect_vreg.gather [hbm4b:s6+s2], $0x80, v4, vm0, $0xb8;
	[tilespmem:$0x18680] =	vst v63  }
0x3e: {  	s4 =	simm.s32 $0x5E80  }
0x3f: {  	[tilespmem:s4], [sflag:$0x1] =	stream.indirect_vreg.gather [hbm4b:s7+s2], $0x80, v4, vm0, $0xb8;
	[tilespmem:$0x18680] =	vst v63  }
0x40: {  	s8 =	simm.s32 $0x6680  }
0x41: {  	[tilespmem:s8], [sflag:$0x1] =	stream.indirect_vreg.gather [hbm4b:s3+s2], $0x80, v3, vm0, $0xb8;
	[tilespmem:$0x18680] =	vst v63  }
0x42: {  	s12 =	simm.s32 $0x6E80  }
0x43: {  	[tilespmem:s12], [sflag:$0x1] =	stream.indirect_vreg.gather [hbm4b:s5+s2], $0x80, v3, vm0, $0xb8;
	[tilespmem:$0x18680] =	vst v63  }
0x44: {  	s1 =	simm.s32 $0x7680  }
0x45: {  	[tilespmem:s1], [sflag:$0x1] =	stream.indirect_vreg.gather [hbm4b:s6+s2], $0x80, v3, vm0, $0xb8;
	[tilespmem:$0x18680] =	vst v63  }
0x46: {  	s4 =	simm.s32 $0x7E80  }
0x47: {  	[tilespmem:s4], [sflag:$0x1] =	stream.indirect_vreg.gather [hbm4b:s7+s2], $0x80, v3, vm0, $0xb8;
	[tilespmem:$0x18680] =	vst v63  }
0x48: {  	v3 =	vld [tilespmem:$0x20];
	_ =	sdelay $0x4  }
0x49: {  	v62 =	vshll.u32 v3, $0x3  }
0x4a: {  	v3 =	vand.u32 $0x7, v3;
	v4 =	vand.u32 $0xFFFFFFC0, v62  }
0x4b: {  	v3 =	vor.u32 v3, v4  }
0x4c: {  	v4 =	vperm.xlane v3, v0;
	_ =	sdelay $0x1  }
0x4d: {  	v4 =	vadd.s32 v1, v4;
	_ =	sdelay $0x4  }
0x4e: {  	[tilespmem:s30], [sflag:$0x2] =	stream.indirect_vreg.gather [hbm4b:s3+s2], $0x80, v4, vm0, $0xb8;
	[tilespmem:$0x18680] =	vst v63  }
0x4f: {  	s8 =	simm.s32 $0x8E80;
	v3 =	vperm.xlane v3, v2  }
0x50: {  	[tilespmem:s8], [sflag:$0x2] =	stream.indirect_vreg.gather [hbm4b:s5+s2], $0x80, v4, vm0, $0xb8;
	[tilespmem:$0x18680] =	vst v63  }
0x51: {  	s12 =	simm.s32 $0x9680;
	v3 =	vadd.s32 v1, v3  }
0x52: {  	[tilespmem:s12], [sflag:$0x2] =	stream.indirect_vreg.gather [hbm4b:s6+s2], $0x80, v4, vm0, $0xb8;
	[tilespmem:$0x18680] =	vst v63  }
0x53: {  	s1 =	simm.s32 $0x9E80  }
0x54: {  	[tilespmem:s1], [sflag:$0x2] =	stream.indirect_vreg.gather [hbm4b:s7+s2], $0x80, v4, vm0, $0xb8;
	[tilespmem:$0x18680] =	vst v63  }
0x55: {  	s4 =	simm.s32 $0xA680  }
0x56: {  	[tilespmem:s4], [sflag:$0x2] =	stream.indirect_vreg.gather [hbm4b:s3+s2], $0x80, v3, vm0, $0xb8;
	[tilespmem:$0x18680] =	vst v63  }
0x57: {  	s8 =	simm.s32 $0xAE80  }
0x58: {  	[tilespmem:s8], [sflag:$0x2] =	stream.indirect_vreg.gather [hbm4b:s5+s2], $0x80, v3, vm0, $0xb8;
	[tilespmem:$0x18680] =	vst v63  }
0x59: {  	s12 =	simm.s32 $0xB680  }
0x5a: {  	[tilespmem:s12], [sflag:$0x2] =	stream.indirect_vreg.gather [hbm4b:s6+s2], $0x80, v3, vm0, $0xb8;
	[tilespmem:$0x18680] =	vst v63  }
0x5b: {  	_ = 	snop  }
0x5c: {  	[tilespmem:s14], [sflag:$0x2] =	stream.indirect_vreg.gather [hbm4b:s7+s2], $0x80, v3, vm0, $0xb8;
	[tilespmem:$0x18680] =	vst v63  }
0x5d: {  	v3 =	vld [tilespmem:$0x30];
	_ =	sdelay $0x4  }
0x5e: {  	v63 =	vshll.u32 v3, $0x3  }
0x5f: {  	v3 =	vand.u32 $0x7, v3;
	v4 =	vand.u32 $0xFFFFFFC0, v63  }
0x60: {  	v3 =	vor.u32 v3, v4  }
0x61: {  	v4 =	vperm.xlane v3, v0;
	_ =	sdelay $0x1  }
0x62: {  	v4 =	vadd.s32 v1, v4;
	_ =	sdelay $0x4  }
0x63: {  	[tilespmem:s15], [sflag:$0x2] =	stream.indirect_vreg.gather [hbm4b:s3+s2], $0x80, v4, vm0, $0xb8;
	[tilespmem:$0x18680] =	vst v63  }
0x64: {  	v3 =	vperm.xlane v3, v2  }
0x65: {  	[tilespmem:s16], [sflag:$0x2] =	stream.indirect_vreg.gather [hbm4b:s5+s2], $0x80, v4, vm0, $0xb8;
	[tilespmem:$0x18680] =	vst v63  }
0x66: {  	v3 =	vadd.s32 v1, v3  }
0x67: {  	[tilespmem:s17], [sflag:$0x2] =	stream.indirect_vreg.gather [hbm4b:s6+s2], $0x80, v4, vm0, $0xb8;
	[tilespmem:$0x18680] =	vst v63  }
0x68: {  	_ = 	snop  }
0x69: {  	[tilespmem:s18], [sflag:$0x2] =	stream.indirect_vreg.gather [hbm4b:s7+s2], $0x80, v4, vm0, $0xb8;
	[tilespmem:$0x18680] =	vst v63  }
0x6a: {  	_ = 	snop  }
0x6b: {  	[tilespmem:s19], [sflag:$0x2] =	stream.indirect_vreg.gather [hbm4b:s3+s2], $0x80, v3, vm0, $0xb8;
	[tilespmem:$0x18680] =	vst v63  }
0x6c: {  	_ = 	snop  }
0x6d: {  	[tilespmem:s20], [sflag:$0x2] =	stream.indirect_vreg.gather [hbm4b:s5+s2], $0x80, v3, vm0, $0xb8;
	[tilespmem:$0x18680] =	vst v63  }
.Ltmp2:
0x6e: {  	_ = 	snop;
	(pc) =	sbr.rel .LBB2_2-.Ltmp2, $4  }
0x6f: {  	s31 =	simm.s32 $0x50  }
0x70: {  	[tilespmem:s21], [sflag:$0x2] =	stream.indirect_vreg.gather [hbm4b:s6+s2], $0x80, v3, vm0, $0xb8;
	[tilespmem:$0x18680] =	vst v63  }
0x71: {  	s0 =	simm.s32 $0x0;
	s1 =	simm.s32 $0xFFFFFFFF;
	s4 =	simm.s32 $0x0  }
0x72: {  	[tilespmem:s22], [sflag:$0x2] =	stream.indirect_vreg.gather [hbm4b:s7+s2], $0x80, v3, vm0, $0xb8;
	[tilespmem:$0x18680] =	vst v63  }
.LBB2_5:
0x73: {  	s8 =	sadd.s32 s0, s9  }
0x74: {  	[hbm4b:s8+s2] =	stream.linear.scatter [tilespmem:s30], [sflag:$0x5], $0x8000, $0x38;
	[tilespmem:$0x18680] =	vst v63  }
0x75: {  	_ =	swait.ge [sflag:s28], $0x8000  }
0x76: {  	[sflag:s28] =	ssyncset.done $0x0  }
0x77: {  	[sflag:s28] =	ssyncadd.s32 $0xFFFF8000  }
.LBB2_6:
0x78: {  	s0 =	sadd.s32 $0x3000, s0  }
0x79: {  	p0 =	sne.s32 s0, $0x36000  }
.Ltmp3:
0x7a: {  	_ = 	snop;
	(pc) =	sbr.rel @!p0 .LBB2_7-.Ltmp3, $2  }
0x7b: {  	_ =	sdelay $0x2  }
0x7c: {  	s4 =	sadd.s32 $0x1, s4;
	s31 =	sadd.s32 $0x60, s31;
	s1 =	sadd.s32 $0x3, s1  }
.LBB2_2:
0x7d: {  	p0 =	seq.s32 s0, $0x33000  }
.Ltmp4:
0x7e: {  	_ = 	snop;
	(pc) =	sbr.rel @p0 .LBB2_7-.Ltmp4, $1  }
0x7f: {  	_ =	sdelay $0x3  }
0x80: {  	_ =	swait.ge [sflag:s23], $0x8000  }
0x81: {  	p0 =	sgt.u32 s1, $0x31;
	[sflag:s23] =	ssyncset.done $0x0  }
0x82: {  	s8 =	simm.s32 @!p0 $0x6;
	[sflag:s23] =	ssyncadd.s32 $0xFFFF8000  }
0x83: {  	_ =	swait.ge @!p0 [sflag:s8], $0x8000  }
0x84: {  	[sflag:s8] =	ssyncset.done @!p0 $0x0  }
0x85: {  	[sflag:s8] =	ssyncadd.s32 @!p0 $0xFFFF8000;
	p0 =	sgt.u32 s4, $0xF  }
0x86: {  	v3 =	vld @!p0 [tilespmem:s31+$0xFFFFFFF0];
	_ =	sdelay $0x4  }
0x87: {  	v4 =	vshll.u32 @!p0 v3, $0x3  }
0x88: {  	v5 =	vlaneseq.u32 @!p0;
	v3 =	vand.u32 @!p0 $0x7, v3;
	v4 =	vand.u32 @!p0 $0xFFFFFFC0, v4  }
0x89: {  	v6 =	vshrl.u32 @!p0 v5, $0x3;
	v3 =	vor.u32 @!p0 v3, v4;
	v4 =	vand.u32 @!p0 $0x7, v5  }
0x8a: {  	v6 =	vmul.u32 @!p0 $0x8, v6;
	v7 =	vperm.xlane @!p0 v3, v4;
	_ =	sdelay $0x1  }
0x8b: {  	v7 =	vadd.s32 @!p0 v6, v7;
	_ =	sdelay $0x3  }
0x8c: {  	vm1 =	vmmov @!p0 $0xffff;
	s8 =	simm.s32 @!p0 $0x0;
	s12 =	simm.s32 @!p0 $0x10680  }
0x8d: {  	v5 =	vor.u32 @!p0 $0x8, v5;
	[tilespmem:s12], [sflag:$0x3] =	stream.indirect_vreg.gather @!p0 [hbm4b:s3+s8], $0x80, v7, vm1, $0xb8;
	[tilespmem:$0x18680] =	vst v63  }
0x8e: {  	v3 =	vperm.xlane @!p0 v3, v5;
	s12 =	simm.s32 @!p0 $0x10E80  }
0x8f: {  	[tilespmem:s12], [sflag:$0x3] =	stream.indirect_vreg.gather @!p0 [hbm4b:s5+s8], $0x80, v7, vm1, $0xb8;
	[tilespmem:$0x18680] =	vst v63  }
0x90: {  	v3 =	vadd.s32 @!p0 v6, v3;
	s12 =	simm.s32 @!p0 $0x11680  }
0x91: {  	[tilespmem:s12], [sflag:$0x3] =	stream.indirect_vreg.gather @!p0 [hbm4b:s6+s8], $0x80, v7, vm1, $0xb8;
	[tilespmem:$0x18680] =	vst v63  }
0x92: {  	s12 =	simm.s32 @!p0 $0x11E80  }
0x93: {  	[tilespmem:s12], [sflag:$0x3] =	stream.indirect_vreg.gather @!p0 [hbm4b:s7+s8], $0x80, v7, vm1, $0xb8;
	[tilespmem:$0x18680] =	vst v63  }
0x94: {  	s12 =	simm.s32 @!p0 $0x12680  }
0x95: {  	[tilespmem:s12], [sflag:$0x3] =	stream.indirect_vreg.gather @!p0 [hbm4b:s3+s8], $0x80, v3, vm1, $0xb8;
	[tilespmem:$0x18680] =	vst v63  }
0x96: {  	s12 =	simm.s32 @!p0 $0x12E80  }
0x97: {  	[tilespmem:s12], [sflag:$0x3] =	stream.indirect_vreg.gather @!p0 [hbm4b:s5+s8], $0x80, v3, vm1, $0xb8;
	[tilespmem:$0x18680] =	vst v63  }
0x98: {  	s12 =	simm.s32 @!p0 $0x13680  }
0x99: {  	[tilespmem:s12], [sflag:$0x3] =	stream.indirect_vreg.gather @!p0 [hbm4b:s6+s8], $0x80, v3, vm1, $0xb8;
	[tilespmem:$0x18680] =	vst v63  }
0x9a: {  	s12 =	simm.s32 @!p0 $0x13E80  }
0x9b: {  	[tilespmem:s12], [sflag:$0x3] =	stream.indirect_vreg.gather @!p0 [hbm4b:s7+s8], $0x80, v3, vm1, $0xb8;
	[tilespmem:$0x18680] =	vst v63  }
0x9c: {  	v3 =	vld @!p0 [tilespmem:s31+$0x0];
	_ =	sdelay $0x4  }
0x9d: {  	v7 =	vshll.u32 @!p0 v3, $0x3  }
0x9e: {  	v3 =	vand.u32 @!p0 $0x7, v3;
	v7 =	vand.u32 @!p0 $0xFFFFFFC0, v7  }
0x9f: {  	v3 =	vor.u32 @!p0 v3, v7  }
0xa0: {  	v4 =	vperm.xlane @!p0 v3, v4;
	_ =	sdelay $0x1  }
0xa1: {  	v4 =	vadd.s32 @!p0 v6, v4;
	_ =	sdelay $0x3  }
0xa2: {  	s12 =	simm.s32 @!p0 $0x14680  }
0xa3: {  	[tilespmem:s12], [sflag:$0x3] =	stream.indirect_vreg.gather @!p0 [hbm4b:s3+s8], $0x80, v4, vm1, $0xb8;
	[tilespmem:$0x18680] =	vst v63  }
0xa4: {  	v3 =	vperm.xlane @!p0 v3, v5;
	s12 =	simm.s32 @!p0 $0x14E80  }
0xa5: {  	[tilespmem:s12], [sflag:$0x3] =	stream.indirect_vreg.gather @!p0 [hbm4b:s5+s8], $0x80, v4, vm1, $0xb8;
	[tilespmem:$0x18680] =	vst v63  }
0xa6: {  	v3 =	vadd.s32 @!p0 v6, v3;
	s12 =	simm.s32 @!p0 $0x15680  }
0xa7: {  	[tilespmem:s12], [sflag:$0x3] =	stream.indirect_vreg.gather @!p0 [hbm4b:s6+s8], $0x80, v4, vm1, $0xb8;
	[tilespmem:$0x18680] =	vst v63  }
0xa8: {  	s12 =	simm.s32 @!p0 $0x15E80  }
0xa9: {  	[tilespmem:s12], [sflag:$0x3] =	stream.indirect_vreg.gather @!p0 [hbm4b:s7+s8], $0x80, v4, vm1, $0xb8;
	[tilespmem:$0x18680] =	vst v63  }
0xaa: {  	s12 =	simm.s32 @!p0 $0x16680  }
0xab: {  	[tilespmem:s12], [sflag:$0x3] =	stream.indirect_vreg.gather @!p0 [hbm4b:s3+s8], $0x80, v3, vm1, $0xb8;
	[tilespmem:$0x18680] =	vst v63  }
0xac: {  	s12 =	simm.s32 @!p0 $0x16E80  }
0xad: {  	[tilespmem:s12], [sflag:$0x3] =	stream.indirect_vreg.gather @!p0 [hbm4b:s5+s8], $0x80, v3, vm1, $0xb8;
	[tilespmem:$0x18680] =	vst v63  }
0xae: {  	s12 =	simm.s32 @!p0 $0x17680  }
0xaf: {  	[tilespmem:s12], [sflag:$0x3] =	stream.indirect_vreg.gather @!p0 [hbm4b:s6+s8], $0x80, v3, vm1, $0xb8;
	[tilespmem:$0x18680] =	vst v63  }
0xb0: {  	s12 =	simm.s32 @!p0 $0x17E80  }
0xb1: {  	[tilespmem:s12], [sflag:$0x3] =	stream.indirect_vreg.gather @!p0 [hbm4b:s7+s8], $0x80, v3, vm1, $0xb8;
	[tilespmem:$0x18680] =	vst v63  }
0xb2: {  	s12 =	sadd.s32 s0, s11  }
0xb3: {  	[hbm4b:s12+s2] =	stream.linear.scatter [tilespmem:s13], [sflag:$0x4], $0x8000, $0x38;
	[tilespmem:$0x18680] =	vst v63  }
0xb4: {  	_ =	swait.ge [sflag:s24], $0x8000  }
.Ltmp5:
0xb5: {  	[sflag:s24] =	ssyncset.done $0x0;
	(pc) =	sbr.rel @p0 .LBB2_5-.Ltmp5, $4  }
0xb6: {  	[sflag:s24] =	ssyncadd.s32 $0xFFFF8000  }
0xb7: {  	_ =	swait.ge [sflag:s25], $0x8000  }
0xb8: {  	[sflag:s25] =	ssyncset.done $0x0  }
0xb9: {  	[sflag:s25] =	ssyncadd.s32 $0xFFFF8000  }
0xba: {  	v3 =	vld [tilespmem:s31+$0x10];
	_ =	sdelay $0x4  }
0xbb: {  	v4 =	vshll.u32 v3, $0x3  }
0xbc: {  	v3 =	vand.u32 $0x7, v3;
	v4 =	vand.u32 $0xFFFFFFC0, v4  }
0xbd: {  	v3 =	vor.u32 v3, v4  }
0xbe: {  	v4 =	vperm.xlane v3, v0;
	_ =	sdelay $0x1  }
0xbf: {  	v4 =	vadd.s32 v1, v4;
	_ =	sdelay $0x4  }
0xc0: {  	[tilespmem:s13], [sflag:$0x1] =	stream.indirect_vreg.gather [hbm4b:s3+s2], $0x80, v4, vm0, $0xb8;
	[tilespmem:$0x18680] =	vst v63  }
0xc1: {  	s8 =	simm.s32 $0xE80;
	v3 =	vperm.xlane v3, v2  }
0xc2: {  	[tilespmem:s8], [sflag:$0x1] =	stream.indirect_vreg.gather [hbm4b:s5+s2], $0x80, v4, vm0, $0xb8;
	[tilespmem:$0x18680] =	vst v63  }
0xc3: {  	s12 =	simm.s32 $0x1680;
	v3 =	vadd.s32 v1, v3  }
0xc4: {  	[tilespmem:s12], [sflag:$0x1] =	stream.indirect_vreg.gather [hbm4b:s6+s2], $0x80, v4, vm0, $0xb8;
	[tilespmem:$0x18680] =	vst v63  }
0xc5: {  	s12 =	simm.s32 $0x1E80  }
0xc6: {  	[tilespmem:s12], [sflag:$0x1] =	stream.indirect_vreg.gather [hbm4b:s7+s2], $0x80, v4, vm0, $0xb8;
	[tilespmem:$0x18680] =	vst v63  }
0xc7: {  	s12 =	simm.s32 $0x2680  }
0xc8: {  	[tilespmem:s12], [sflag:$0x1] =	stream.indirect_vreg.gather [hbm4b:s3+s2], $0x80, v3, vm0, $0xb8;
	[tilespmem:$0x18680] =	vst v63  }
0xc9: {  	s12 =	simm.s32 $0x2E80  }
0xca: {  	[tilespmem:s12], [sflag:$0x1] =	stream.indirect_vreg.gather [hbm4b:s5+s2], $0x80, v3, vm0, $0xb8;
	[tilespmem:$0x18680] =	vst v63  }
0xcb: {  	s12 =	simm.s32 $0x3680  }
0xcc: {  	[tilespmem:s12], [sflag:$0x1] =	stream.indirect_vreg.gather [hbm4b:s6+s2], $0x80, v3, vm0, $0xb8;
	[tilespmem:$0x18680] =	vst v63  }
0xcd: {  	s12 =	simm.s32 $0x3E80  }
0xce: {  	[tilespmem:s12], [sflag:$0x1] =	stream.indirect_vreg.gather [hbm4b:s7+s2], $0x80, v3, vm0, $0xb8;
	[tilespmem:$0x18680] =	vst v63  }
0xcf: {  	v3 =	vld [tilespmem:s31+$0x20];
	_ =	sdelay $0x4  }
0xd0: {  	v61 =	vshll.u32 v3, $0x3  }
0xd1: {  	v3 =	vand.u32 $0x7, v3;
	v4 =	vand.u32 $0xFFFFFFC0, v61  }
0xd2: {  	v3 =	vor.u32 v3, v4  }
0xd3: {  	v4 =	vperm.xlane v3, v0;
	_ =	sdelay $0x1  }
0xd4: {  	v4 =	vadd.s32 v1, v4;
	_ =	sdelay $0x3  }
0xd5: {  	s12 =	simm.s32 $0x4680  }
0xd6: {  	[tilespmem:s12], [sflag:$0x1] =	stream.indirect_vreg.gather [hbm4b:s3+s2], $0x80, v4, vm0, $0xb8;
	[tilespmem:$0x18680] =	vst v63  }
0xd7: {  	v3 =	vperm.xlane v3, v2;
	s12 =	simm.s32 $0x4E80  }
0xd8: {  	[tilespmem:s12], [sflag:$0x1] =	stream.indirect_vreg.gather [hbm4b:s5+s2], $0x80, v4, vm0, $0xb8;
	[tilespmem:$0x18680] =	vst v63  }
0xd9: {  	v3 =	vadd.s32 v1, v3;
	s12 =	simm.s32 $0x5680  }
0xda: {  	[tilespmem:s12], [sflag:$0x1] =	stream.indirect_vreg.gather [hbm4b:s6+s2], $0x80, v4, vm0, $0xb8;
	[tilespmem:$0x18680] =	vst v63  }
0xdb: {  	s12 =	simm.s32 $0x5E80  }
0xdc: {  	[tilespmem:s12], [sflag:$0x1] =	stream.indirect_vreg.gather [hbm4b:s7+s2], $0x80, v4, vm0, $0xb8;
	[tilespmem:$0x18680] =	vst v63  }
0xdd: {  	s12 =	simm.s32 $0x6680  }
0xde: {  	[tilespmem:s12], [sflag:$0x1] =	stream.indirect_vreg.gather [hbm4b:s3+s2], $0x80, v3, vm0, $0xb8;
	[tilespmem:$0x18680] =	vst v63  }
0xdf: {  	s12 =	simm.s32 $0x6E80  }
0xe0: {  	[tilespmem:s12], [sflag:$0x1] =	stream.indirect_vreg.gather [hbm4b:s5+s2], $0x80, v3, vm0, $0xb8;
	[tilespmem:$0x18680] =	vst v63  }
0xe1: {  	s12 =	simm.s32 $0x7680  }
0xe2: {  	[tilespmem:s12], [sflag:$0x1] =	stream.indirect_vreg.gather [hbm4b:s6+s2], $0x80, v3, vm0, $0xb8;
	[tilespmem:$0x18680] =	vst v63  }
0xe3: {  	s12 =	simm.s32 $0x7E80  }
0xe4: {  	[tilespmem:s12], [sflag:$0x1] =	stream.indirect_vreg.gather [hbm4b:s7+s2], $0x80, v3, vm0, $0xb8;
	[tilespmem:$0x18680] =	vst v63  }
0xe5: {  	s12 =	sadd.s32 s0, s9  }
0xe6: {  	[hbm4b:s12+s2] =	stream.linear.scatter [tilespmem:s30], [sflag:$0x5], $0x8000, $0x38;
	[tilespmem:$0x18680] =	vst v63  }
0xe7: {  	_ =	swait.ge [sflag:s26], $0x8000  }
0xe8: {  	[sflag:s26] =	ssyncset.done $0x0  }
0xe9: {  	[sflag:s26] =	ssyncadd.s32 $0xFFFF8000  }
0xea: {  	_ =	swait.ge [sflag:s28], $0x8000  }
0xeb: {  	[sflag:s28] =	ssyncset.done $0x0  }
0xec: {  	[sflag:s28] =	ssyncadd.s32 $0xFFFF8000  }
0xed: {  	v3 =	vld [tilespmem:s31+$0x30];
	_ =	sdelay $0x4  }
0xee: {  	v62 =	vshll.u32 v3, $0x3  }
0xef: {  	v3 =	vand.u32 $0x7, v3;
	v4 =	vand.u32 $0xFFFFFFC0, v62  }
0xf0: {  	v3 =	vor.u32 v3, v4  }
0xf1: {  	v4 =	vperm.xlane v3, v0;
	_ =	sdelay $0x1  }
0xf2: {  	v4 =	vadd.s32 v1, v4;
	_ =	sdelay $0x4  }
0xf3: {  	[tilespmem:s30], [sflag:$0x2] =	stream.indirect_vreg.gather [hbm4b:s3+s2], $0x80, v4, vm0, $0xb8;
	[tilespmem:$0x18680] =	vst v63  }
0xf4: {  	s12 =	simm.s32 $0x8E80;
	v3 =	vperm.xlane v3, v2  }
0xf5: {  	[tilespmem:s12], [sflag:$0x2] =	stream.indirect_vreg.gather [hbm4b:s5+s2], $0x80, v4, vm0, $0xb8;
	[tilespmem:$0x18680] =	vst v63  }
0xf6: {  	v3 =	vadd.s32 v1, v3;
	s12 =	simm.s32 $0x9680  }
0xf7: {  	[tilespmem:s12], [sflag:$0x2] =	stream.indirect_vreg.gather [hbm4b:s6+s2], $0x80, v4, vm0, $0xb8;
	[tilespmem:$0x18680] =	vst v63  }
0xf8: {  	s12 =	simm.s32 $0x9E80  }
0xf9: {  	[tilespmem:s12], [sflag:$0x2] =	stream.indirect_vreg.gather [hbm4b:s7+s2], $0x80, v4, vm0, $0xb8;
	[tilespmem:$0x18680] =	vst v63  }
0xfa: {  	s12 =	simm.s32 $0xA680  }
0xfb: {  	[tilespmem:s12], [sflag:$0x2] =	stream.indirect_vreg.gather [hbm4b:s3+s2], $0x80, v3, vm0, $0xb8;
	[tilespmem:$0x18680] =	vst v63  }
0xfc: {  	s12 =	simm.s32 $0xAE80  }
0xfd: {  	[tilespmem:s12], [sflag:$0x2] =	stream.indirect_vreg.gather [hbm4b:s5+s2], $0x80, v3, vm0, $0xb8;
	[tilespmem:$0x18680] =	vst v63  }
0xfe: {  	s12 =	simm.s32 $0xB680  }
0xff: {  	[tilespmem:s12], [sflag:$0x2] =	stream.indirect_vreg.gather [hbm4b:s6+s2], $0x80, v3, vm0, $0xb8;
	[tilespmem:$0x18680] =	vst v63  }
0x100: {  	_ = 	snop  }
0x101: {  	[tilespmem:s14], [sflag:$0x2] =	stream.indirect_vreg.gather [hbm4b:s7+s2], $0x80, v3, vm0, $0xb8;
	[tilespmem:$0x18680] =	vst v63  }
0x102: {  	v3 =	vld [tilespmem:s31+$0x40];
	_ =	sdelay $0x4  }
0x103: {  	v63 =	vshll.u32 v3, $0x3  }
0x104: {  	v3 =	vand.u32 $0x7, v3;
	v4 =	vand.u32 $0xFFFFFFC0, v63  }
0x105: {  	v3 =	vor.u32 v3, v4  }
0x106: {  	v4 =	vperm.xlane v3, v0;
	_ =	sdelay $0x1  }
0x107: {  	v4 =	vadd.s32 v1, v4;
	_ =	sdelay $0x4  }
0x108: {  	[tilespmem:s15], [sflag:$0x2] =	stream.indirect_vreg.gather [hbm4b:s3+s2], $0x80, v4, vm0, $0xb8;
	[tilespmem:$0x18680] =	vst v63  }
0x109: {  	v3 =	vperm.xlane v3, v2  }
0x10a: {  	[tilespmem:s16], [sflag:$0x2] =	stream.indirect_vreg.gather [hbm4b:s5+s2], $0x80, v4, vm0, $0xb8;
	[tilespmem:$0x18680] =	vst v63  }
0x10b: {  	v3 =	vadd.s32 v1, v3  }
0x10c: {  	[tilespmem:s17], [sflag:$0x2] =	stream.indirect_vreg.gather [hbm4b:s6+s2], $0x80, v4, vm0, $0xb8;
	[tilespmem:$0x18680] =	vst v63  }
0x10d: {  	_ = 	snop  }
0x10e: {  	[tilespmem:s18], [sflag:$0x2] =	stream.indirect_vreg.gather [hbm4b:s7+s2], $0x80, v4, vm0, $0xb8;
	[tilespmem:$0x18680] =	vst v63  }
0x10f: {  	_ = 	snop  }
0x110: {  	[tilespmem:s19], [sflag:$0x2] =	stream.indirect_vreg.gather [hbm4b:s3+s2], $0x80, v3, vm0, $0xb8;
	[tilespmem:$0x18680] =	vst v63  }
0x111: {  	_ = 	snop  }
0x112: {  	[tilespmem:s20], [sflag:$0x2] =	stream.indirect_vreg.gather [hbm4b:s5+s2], $0x80, v3, vm0, $0xb8;
	[tilespmem:$0x18680] =	vst v63  }
0x113: {  	_ = 	snop  }
0x114: {  	[tilespmem:s21], [sflag:$0x2] =	stream.indirect_vreg.gather [hbm4b:s6+s2], $0x80, v3, vm0, $0xb8;
	[tilespmem:$0x18680] =	vst v63  }
.Ltmp6:
0x115: {  	_ = 	snop;
	(pc) =	sbr.rel .LBB2_6-.Ltmp6, $4  }
0x116: {  	_ = 	snop  }
0x117: {  	[tilespmem:s22], [sflag:$0x2] =	stream.indirect_vreg.gather [hbm4b:s7+s2], $0x80, v3, vm0, $0xb8;
	[tilespmem:$0x18680] =	vst v63  }
0x118: {  	s8 =	sadd.s32 s0, s10;
	s12 =	simm.s32 $0x10680  }
0x119: {  	[hbm4b:s8+s2] =	stream.linear.scatter [tilespmem:s12], [sflag:$0x6], $0x8000, $0x38;
	[tilespmem:$0x18680] =	vst v63  }
.LBB2_8:
0x11a: {  	_ =	sfence.sel $0x180000  }
0x11b: {  	[bflag:$0x0] =	sbarrier.arrive $0xFFFF  }
0x11c: {  	_ =	strace $0x90000047  }
0x11d: {  	s0 =	stileid.u32;
	[bflag:$0x2] =	sbarrier.arrive $0xFFFF  }
0x11e: {  	p0 =	sne.s32 s0, $0x0;
	s0 =	rddreg [dreg:$0x2]  }
0x11f: {  	s0 =	sadd.s32 @!p0 $0x100000, s0  }
0x120: {  	[sflag:s0] =	ssyncadd.tile.s32 @!p0 $0x1;
	_ =	shalt  }
.Lfunc_end2:
_tile_overlayer_lowered:
.L_overlay_start_2:
0x121: {  	(tag) =	ssettag $0x2  }
0x122: {  	s0 =	rddreg [dreg:$0x0];
	s2 =	stileid.u32  }
0x123: {  	s1 =	rddreg [dreg:$0x1];
	p0 =	sne.s32 s2, $0x0  }
0x124: {  	s3 =	rddreg [dreg:$0x2];
	[bflag:$0x3] =	sbarrier.arrive $0xFFFF;
	s2 =	simm.s32 @!p0 $0x1C07  }
0x125: {  	[timem:s3], [sflag:s2] =	dma.local @!p0 [hbm:s0], s1  }
0x126: {  	s0 =	simm.s32 @!p0 $0x7  }
0x127: {  	_ =	swait.ge @!p0 [sflag:s0], s1  }
0x128: {  	s1 =	ssub.s32 @!p0 $0x0, s1;
	[sflag:s0] =	ssyncset.done @!p0 $0x0  }
0x129: {  	[sflag:s0] =	ssyncadd.s32 @!p0 s1  }
0x12a: {  	[bflag:$0x3] =	sbarrier.arrive $0xFFFF  }
0x12b: {  	_ =	shalt  }

</sc_bundles>
